<compile_context>
chip_gen: v7x
topology: tpu7x:2x2x1
jax: 0.10.2.dev20260603
libtpu: 0.0.44.dev20260713+nightly
codegen_flags: <defaults>
</compile_context>

<pallas_src>
import jax
import jax.numpy as jnp
from jax import lax
from jax.experimental import pallas as pl
from jax.experimental.pallas import tpu as pltpu
from jax.experimental.pallas import tpu_sc as plsc

VOCAB = 100000
D = 200
DP = 256
N_ROWS = 204800
NC, NS, L = 2, 16, 16
NW = NC * NS
PER_W = N_ROWS // NW
CHUNK = 128
N_CHUNKS = PER_W // CHUNK
N_GROUPS = PER_W // L


def _sc_body(idx_hbm, emb_hbm, out_hbm, idx_v, rows_v, rows2_v, sem, sem2):
    wid = lax.axis_index("s") * NC + lax.axis_index("c")
    base = wid * PER_W

    pltpu.sync_copy(idx_hbm.at[pl.ds(base, PER_W)],
                    idx_v.at[pl.ds(0, PER_W)])

    vocab_v = jnp.full((L,), VOCAB, jnp.int32)
    zero_v = jnp.zeros((L,), jnp.int32)
    for k in range(CHUNK // L):
        idx_v[pl.ds(PER_W + k * L, L)] = zero_v

    def group_body(g, carry):
        v = idx_v[pl.ds(g * L, L)]
        idx_v[pl.ds(g * L, L)] = jnp.minimum(v, vocab_v)
        return carry

    lax.fori_loop(0, N_GROUPS, group_body, jnp.int32(0))

    def gstart(c, buf, sm):
        pltpu.async_copy(
            emb_hbm.at[idx_v.at[pl.ds(c * CHUNK, CHUNK)]], buf, sm)

    def gwait(buf, sm):
        pltpu.make_async_copy(
            emb_hbm.at[idx_v.at[pl.ds(0, CHUNK)]], buf, sm).wait()

    gstart(0, rows_v, sem)

    def chunk_body(c2, carry):
        c = 2 * c2
        gstart(c + 1, rows2_v, sem2)
        gwait(rows_v, sem)
        pltpu.sync_copy(rows_v, out_hbm.at[pl.ds(base + c * CHUNK, CHUNK)])
        gstart(c + 2, rows_v, sem)
        gwait(rows2_v, sem2)
        pltpu.sync_copy(rows2_v,
                        out_hbm.at[pl.ds(base + (c + 1) * CHUNK, CHUNK)])
        return carry

    lax.fori_loop(0, N_CHUNKS // 2, chunk_body, jnp.int32(0))
    gwait(rows_v, sem)


@jax.jit
def _run(idx_flat, table_p):
    mesh = plsc.VectorSubcoreMesh(core_axis_name="c", subcore_axis_name="s")
    f = pl.kernel(
        _sc_body,
        out_type=jax.ShapeDtypeStruct((N_ROWS, DP), jnp.float32),
        mesh=mesh,
        scratch_types=[
            pltpu.VMEM((PER_W + CHUNK,), jnp.int32),
            pltpu.VMEM((CHUNK, DP), jnp.float32),
            pltpu.VMEM((CHUNK, DP), jnp.float32),
            pltpu.SemaphoreType.DMA,
            pltpu.SemaphoreType.DMA,
        ],
    )
    return f(idx_flat, table_p)


def kernel(word_indices, embedding_matrix, oov_embedding):
    idx_flat = word_indices.reshape(-1).astype(jnp.int32)
    table_p = jnp.pad(
        jnp.concatenate([embedding_matrix, oov_embedding], axis=0),
        ((0, 0), (0, DP - D)),
    )
    out = _run(idx_flat, table_p)
    return out[:, :D].reshape(word_indices.shape + (D,))

# --- scband reference (transcript-rebuilt; emitter-appended) ---
"""Pipeline reference for scband-embedding-mapper-21801253995156 (READ-ONLY COPY).

The authoritative reference and input builder live on the scoring server;
editing this copy changes nothing except your own understanding.
"""

import jax, jax.numpy as jnp
import numpy as np

VOCAB_SIZE = 100000
EMBED_DIM = 200

def setup_inputs(seed: int = 0) -> dict:
    key = jax.random.key(seed)
    k1, k2, k3 = jax.random.split(key, 3)
    # indices intentionally range up to vocab_size+50 so some are OOV
    word_indices = jax.random.randint(k1, (4096, 50), 0, 100050, dtype=jnp.int64)
    embedding_matrix = jax.random.normal(k2, (VOCAB_SIZE, EMBED_DIM), dtype=jnp.float32)
    oov_embedding = jax.random.normal(k3, (1, EMBED_DIM), dtype=jnp.float32)
    return {"word_indices": word_indices, "embedding_matrix": embedding_matrix, "oov_embedding": oov_embedding}

def reference(word_indices, embedding_matrix, oov_embedding):
    vocab_size = embedding_matrix.shape[0]
    # gather with clamped indices, then select OOV rows
    safe_idx = jnp.clip(word_indices, 0, vocab_size - 1)
    gathered = jnp.take(embedding_matrix, safe_idx, axis=0)  # [B, L, D]
    is_in_vocab = (word_indices < vocab_size)[..., None]     # [B, L, 1]
    embeddings = jnp.where(is_in_vocab, gathered, oov_embedding[0])
    return embeddings

if __name__ == "__main__":
    import jax
    _d = setup_inputs()
    print(jax.jit(kernel)(*tuple(_d.values())))

</pallas_src>

<mosaic_0001>
#map = affine_map<(d0, d1) -> (0)>
#map1 = affine_map<(d0, d1) -> (0, 0)>
module attributes {stable_mosaic.version = 14 : i64} {
  func.func @_sc_body(%arg0: i32, %arg1: i32, %arg2: memref<204800xi32, #tpu.memory_space<hbm>>, %arg3: memref<100001x256xf32, #tpu.memory_space<hbm>>, %arg4: memref<204800x256xf32, #tpu.memory_space<hbm>>, %arg5: memref<6528xi32, #tpu.memory_space<vmem>>, %arg6: memref<128x256xf32, #tpu.memory_space<vmem>>, %arg7: memref<128x256xf32, #tpu.memory_space<vmem>>, %arg8: memref<!tpu.dma_semaphore, #tpu.memory_space<semaphore_mem>>, %arg9: memref<!tpu.dma_semaphore, #tpu.memory_space<semaphore_mem>>) attributes {dimension_semantics = [#tpu.dimension_semantics<core_parallel>, #tpu.dimension_semantics<subcore_parallel>], iteration_bounds = array<i64: 2, 16>, scalar_prefetch = 0 : i64, scratch_operands = 5 : i64, tpu.core_type = #tpu.core_type<sc_vector_subcore>, window_params = [{transform_indices = #map}, {transform_indices = #map1}, {transform_indices = #map1}]} {
    %mul3A = arith.constant 2 : i32
    %mul3A_0 = arith.muli %arg1, %mul3A : i32
    %add3A = arith.addi %mul3A_0, %arg0 : i32
    %mul3A_1 = arith.constant 6400 : i32
    %mul3A_2 = arith.muli %add3A, %mul3A_1 : i32
    "tpu.region"() ({
      %run_scoped3A = tpu.sem_alloc : memref<!tpu.dma_semaphore, #tpu.memory_space<semaphore_mem>>
      %dma_start3A_56 = arith.constant 0 : i32
      %dma_start3A_57 = tpu.memref_slice %arg5[%dma_start3A_56] : memref<6528xi32, #tpu.memory_space<vmem>> -> memref<6400xi32, #tpu.memory_space<vmem>>
      %dma_start3A_58 = tpu.memref_slice %arg2[%mul3A_2] : memref<204800xi32, #tpu.memory_space<hbm>> -> memref<6400xi32, #tpu.memory_space<hbm>>
      %dma_start3A_59 = arith.constant 0 : i32
      %dma_start3A_60 = tpu.memref_slice %arg5[%dma_start3A_59] : memref<6528xi32, #tpu.memory_space<vmem>> -> memref<6400xi32, #tpu.memory_space<vmem>>
      %dma_start3A_61 = tpu.memref_slice %arg2[%mul3A_2] : memref<204800xi32, #tpu.memory_space<hbm>> -> memref<6400xi32, #tpu.memory_space<hbm>>
      tpu.enqueue_dma source(%dma_start3A_61 : memref<6400xi32, #tpu.memory_space<hbm>>) target(%dma_start3A_60 : memref<6400xi32, #tpu.memory_space<vmem>>) target_semaphore(%run_scoped3A : memref<!tpu.dma_semaphore, #tpu.memory_space<semaphore_mem>>)
      %dma_wait3A_62 = arith.constant 0 : i32
      %dma_wait3A_63 = tpu.memref_slice %arg5[%dma_wait3A_62] : memref<6528xi32, #tpu.memory_space<vmem>> -> memref<6400xi32, #tpu.memory_space<vmem>>
      %dma_wait3A_64 = tpu.memref_slice %arg2[%mul3A_2] : memref<204800xi32, #tpu.memory_space<hbm>> -> memref<6400xi32, #tpu.memory_space<hbm>>
      %dma_wait3A_65 = arith.constant 0 : i32
      %dma_wait3A_66 = tpu.memref_slice %arg5[%dma_wait3A_65] : memref<6528xi32, #tpu.memory_space<vmem>> -> memref<6400xi32, #tpu.memory_space<vmem>>
      %dma_wait3A_67 = tpu.memref_slice %arg2[%mul3A_2] : memref<204800xi32, #tpu.memory_space<hbm>> -> memref<6400xi32, #tpu.memory_space<hbm>>
      tpu.wait_dma2 semaphore(%run_scoped3A : memref<!tpu.dma_semaphore, #tpu.memory_space<semaphore_mem>>) src(%dma_wait3A_67 : memref<6400xi32, #tpu.memory_space<hbm>>) dst(%dma_wait3A_66 : memref<6400xi32, #tpu.memory_space<vmem>>)
      tpu.yield
    }) : () -> ()
    %broadcast_in_dim3A = arith.constant 100000 : i32
    %broadcast_in_dim3A_3 = vector.broadcast %broadcast_in_dim3A : i32 to vector<16xi32>
    %broadcast_in_dim3A_4 = arith.constant 0 : i32
    %broadcast_in_dim3A_5 = vector.broadcast %broadcast_in_dim3A_4 : i32 to vector<16xi32>
    %swap3A = arith.constant 6400 : index
    %swap3A_6 = tpu.vector_load %arg5[%swap3A] {strides = array<i32>} : memref<6528xi32, #tpu.memory_space<vmem>>, vector<16xi32>,
    %swap3A_7 = vector.shape_cast %swap3A_6 : vector<16xi32> to vector<16xi32>
    %swap3A_8 = vector.shape_cast %broadcast_in_dim3A_5 : vector<16xi32> to vector<16xi32>
    tpu.vector_store %arg5[%swap3A], %swap3A_8 {strides = array<i32>} : memref<6528xi32, #tpu.memory_space<vmem>>, vector<16xi32>,
    %swap3A_9 = arith.constant 6416 : index
    %swap3A_10 = tpu.vector_load %arg5[%swap3A_9] {strides = array<i32>} : memref<6528xi32, #tpu.memory_space<vmem>>, vector<16xi32>,
    %swap3A_11 = vector.shape_cast %swap3A_10 : vector<16xi32> to vector<16xi32>
    %swap3A_12 = vector.shape_cast %broadcast_in_dim3A_5 : vector<16xi32> to vector<16xi32>
    tpu.vector_store %arg5[%swap3A_9], %swap3A_12 {strides = array<i32>} : memref<6528xi32, #tpu.memory_space<vmem>>, vector<16xi32>,
    %swap3A_13 = arith.constant 6432 : index
    %swap3A_14 = tpu.vector_load %arg5[%swap3A_13] {strides = array<i32>} : memref<6528xi32, #tpu.memory_space<vmem>>, vector<16xi32>,
    %swap3A_15 = vector.shape_cast %swap3A_14 : vector<16xi32> to vector<16xi32>
    %swap3A_16 = vector.shape_cast %broadcast_in_dim3A_5 : vector<16xi32> to vector<16xi32>
    tpu.vector_store %arg5[%swap3A_13], %swap3A_16 {strides = array<i32>} : memref<6528xi32, #tpu.memory_space<vmem>>, vector<16xi32>,
    %swap3A_17 = arith.constant 6448 : index
    %swap3A_18 = tpu.vector_load %arg5[%swap3A_17] {strides = array<i32>} : memref<6528xi32, #tpu.memory_space<vmem>>, vector<16xi32>,
    %swap3A_19 = vector.shape_cast %swap3A_18 : vector<16xi32> to vector<16xi32>
    %swap3A_20 = vector.shape_cast %broadcast_in_dim3A_5 : vector<16xi32> to vector<16xi32>
    tpu.vector_store %arg5[%swap3A_17], %swap3A_20 {strides = array<i32>} : memref<6528xi32, #tpu.memory_space<vmem>>, vector<16xi32>,
    %swap3A_21 = arith.constant 6464 : index
    %swap3A_22 = tpu.vector_load %arg5[%swap3A_21] {strides = array<i32>} : memref<6528xi32, #tpu.memory_space<vmem>>, vector<16xi32>,
    %swap3A_23 = vector.shape_cast %swap3A_22 : vector<16xi32> to vector<16xi32>
    %swap3A_24 = vector.shape_cast %broadcast_in_dim3A_5 : vector<16xi32> to vector<16xi32>
    tpu.vector_store %arg5[%swap3A_21], %swap3A_24 {strides = array<i32>} : memref<6528xi32, #tpu.memory_space<vmem>>, vector<16xi32>,
    %swap3A_25 = arith.constant 6480 : index
    %swap3A_26 = tpu.vector_load %arg5[%swap3A_25] {strides = array<i32>} : memref<6528xi32, #tpu.memory_space<vmem>>, vector<16xi32>,
    %swap3A_27 = vector.shape_cast %swap3A_26 : vector<16xi32> to vector<16xi32>
    %swap3A_28 = vector.shape_cast %broadcast_in_dim3A_5 : vector<16xi32> to vector<16xi32>
    tpu.vector_store %arg5[%swap3A_25], %swap3A_28 {strides = array<i32>} : memref<6528xi32, #tpu.memory_space<vmem>>, vector<16xi32>,
    %swap3A_29 = arith.constant 6496 : index
    %swap3A_30 = tpu.vector_load %arg5[%swap3A_29] {strides = array<i32>} : memref<6528xi32, #tpu.memory_space<vmem>>, vector<16xi32>,
    %swap3A_31 = vector.shape_cast %swap3A_30 : vector<16xi32> to vector<16xi32>
    %swap3A_32 = vector.shape_cast %broadcast_in_dim3A_5 : vector<16xi32> to vector<16xi32>
    tpu.vector_store %arg5[%swap3A_29], %swap3A_32 {strides = array<i32>} : memref<6528xi32, #tpu.memory_space<vmem>>, vector<16xi32>,
    %swap3A_33 = arith.constant 6512 : index
    %swap3A_34 = tpu.vector_load %arg5[%swap3A_33] {strides = array<i32>} : memref<6528xi32, #tpu.memory_space<vmem>>, vector<16xi32>,
    %swap3A_35 = vector.shape_cast %swap3A_34 : vector<16xi32> to vector<16xi32>
    %swap3A_36 = vector.shape_cast %broadcast_in_dim3A_5 : vector<16xi32> to vector<16xi32>
    tpu.vector_store %arg5[%swap3A_33], %swap3A_36 {strides = array<i32>} : memref<6528xi32, #tpu.memory_space<vmem>>, vector<16xi32>,
    %scan3A = arith.constant 0 : i32
    %scan3A_37 = arith.constant 0 : i32
    %scan3A_38 = arith.constant 400 : i32
    %scan3A_39 = arith.addi %scan3A_37, %scan3A_38 : i32
    %scan3A_40 = arith.constant 1 : i32
    scf.for %scan3A_56 = %scan3A_37 to %scan3A_39 step %scan3A_40  : i32 {
      %mul3A_57 = arith.constant 16 : i32
      %mul3A_58 = arith.muli %scan3A_56, %mul3A_57 : i32
      %get3A = arith.index_cast %mul3A_58 : i32 to index
      %get3A_59 = tpu.vector_load %arg5[%get3A] {strides = array<i32>} : memref<6528xi32, #tpu.memory_space<vmem>>, vector<16xi32>,
      %get3A_60 = vector.shape_cast %get3A_59 : vector<16xi32> to vector<16xi32>
      %min3A = arith.minsi %get3A_60, %broadcast_in_dim3A_3 : vector<16xi32>
      %mul3A_61 = arith.constant 16 : i32
      %mul3A_62 = arith.muli %scan3A_56, %mul3A_61 : i32
      %swap3A_63 = arith.index_cast %mul3A_62 : i32 to index
      %swap3A_64 = tpu.vector_load %arg5[%swap3A_63] {strides = array<i32>} : memref<6528xi32, #tpu.memory_space<vmem>>, vector<16xi32>,
      %swap3A_65 = vector.shape_cast %swap3A_64 : vector<16xi32> to vector<16xi32>
      %swap3A_66 = vector.shape_cast %min3A : vector<16xi32> to vector<16xi32>
      tpu.vector_store %arg5[%swap3A_63], %swap3A_66 {strides = array<i32>} : memref<6528xi32, #tpu.memory_space<vmem>>, vector<16xi32>,
    }
    %scan3A_41 = arith.constant 400 : i32
    %dma_start3A = arith.constant 0 : i32
    %dma_start3A_42 = tpu.memref_slice %arg5[%dma_start3A] : memref<6528xi32, #tpu.memory_space<vmem>> -> memref<128xi32, #tpu.memory_space<vmem>>
    %dma_start3A_43 = arith.constant 0 : i32
    %dma_start3A_44 = arith.constant 0 : i32
    %dma_start3A_45 = tpu.memref_slice %arg3[%dma_start3A_43, %dma_start3A_44] : memref<100001x256xf32, #tpu.memory_space<hbm>> -> memref<100001x256xf32, #tpu.memory_space<hbm>>
    tpu.enqueue_indirect_dma source(%dma_start3A_45 : memref<100001x256xf32, #tpu.memory_space<hbm>>) target(%arg6 : memref<128x256xf32, #tpu.memory_space<vmem>>) offsets(%dma_start3A_42 : memref<128xi32, #tpu.memory_space<vmem>>) semaphore(%arg8 : memref<!tpu.dma_semaphore, #tpu.memory_space<semaphore_mem>>)
    %scan3A_46 = arith.constant 0 : i32
    %scan3A_47 = arith.constant 0 : i32
    %scan3A_48 = arith.constant 25 : i32
    %scan3A_49 = arith.addi %scan3A_47, %scan3A_48 : i32
    %scan3A_50 = arith.constant 1 : i32
    scf.for %scan3A_56 = %scan3A_47 to %scan3A_49 step %scan3A_50  : i32 {
      %mul3A_57 = arith.constant 2 : i32
      %mul3A_58 = arith.muli %mul3A_57, %scan3A_56 : i32
      %add3A_59 = arith.constant 1 : i32
      %add3A_60 = arith.addi %mul3A_58, %add3A_59 : i32
      %mul3A_61 = arith.constant 128 : i32
      %mul3A_62 = arith.muli %add3A_60, %mul3A_61 : i32
      %dma_start3A_63 = tpu.memref_slice %arg5[%mul3A_62] : memref<6528xi32, #tpu.memory_space<vmem>> -> memref<128xi32, #tpu.memory_space<vmem>>
      %dma_start3A_64 = arith.constant 0 : i32
      %dma_start3A_65 = arith.constant 0 : i32
      %dma_start3A_66 = tpu.memref_slice %arg3[%dma_start3A_64, %dma_start3A_65] : memref<100001x256xf32, #tpu.memory_space<hbm>> -> memref<100001x256xf32, #tpu.memory_space<hbm>>
      tpu.enqueue_indirect_dma source(%dma_start3A_66 : memref<100001x256xf32, #tpu.memory_space<hbm>>) target(%arg7 : memref<128x256xf32, #tpu.memory_space<vmem>>) offsets(%dma_start3A_63 : memref<128xi32, #tpu.memory_space<vmem>>) semaphore(%arg9 : memref<!tpu.dma_semaphore, #tpu.memory_space<semaphore_mem>>)
      %dma_wait3A_67 = arith.constant 0 : i32
      %dma_wait3A_68 = tpu.memref_slice %arg5[%dma_wait3A_67] : memref<6528xi32, #tpu.memory_space<vmem>> -> memref<128xi32, #tpu.memory_space<vmem>>
      %dma_wait3A_69 = arith.constant 0 : i32
      %dma_wait3A_70 = arith.constant 0 : i32
      %dma_wait3A_71 = tpu.memref_slice %arg3[%dma_wait3A_69, %dma_wait3A_70] : memref<100001x256xf32, #tpu.memory_space<hbm>> -> memref<100001x256xf32, #tpu.memory_space<hbm>>
      tpu.wait_indirect_dma semaphore(%arg8 : memref<!tpu.dma_semaphore, #tpu.memory_space<semaphore_mem>>) src(%dma_wait3A_71 : memref<100001x256xf32, #tpu.memory_space<hbm>>) dst(%arg6 : memref<128x256xf32, #tpu.memory_space<vmem>>)
      %mul3A_72 = arith.constant 128 : i32
      %mul3A_73 = arith.muli %mul3A_58, %mul3A_72 : i32
      %add3A_74 = arith.addi %mul3A_2, %mul3A_73 : i32
      "tpu.region"() ({
        %run_scoped3A = tpu.sem_alloc : memref<!tpu.dma_semaphore, #tpu.memory_space<semaphore_mem>>
        %dma_start3A_93 = arith.constant 0 : i32
        %dma_start3A_94 = tpu.memref_slice %arg4[%add3A_74, %dma_start3A_93] : memref<204800x256xf32, #tpu.memory_space<hbm>> -> memref<128x256xf32, #tpu.memory_space<hbm>>
        %dma_start3A_95 = arith.constant 0 : i32
        %dma_start3A_96 = tpu.memref_slice %arg4[%add3A_74, %dma_start3A_95] : memref<204800x256xf32, #tpu.memory_space<hbm>> -> memref<128x256xf32, #tpu.memory_space<hbm>>
        tpu.enqueue_dma source(%arg6 : memref<128x256xf32, #tpu.memory_space<vmem>>) target(%dma_start3A_96 : memref<128x256xf32, #tpu.memory_space<hbm>>) target_semaphore(%run_scoped3A : memref<!tpu.dma_semaphore, #tpu.memory_space<semaphore_mem>>)
        %dma_wait3A_97 = arith.constant 0 : i32
        %dma_wait3A_98 = tpu.memref_slice %arg4[%add3A_74, %dma_wait3A_97] : memref<204800x256xf32, #tpu.memory_space<hbm>> -> memref<128x256xf32, #tpu.memory_space<hbm>>
        %dma_wait3A_99 = arith.constant 0 : i32
        %dma_wait3A_100 = tpu.memref_slice %arg4[%add3A_74, %dma_wait3A_99] : memref<204800x256xf32, #tpu.memory_space<hbm>> -> memref<128x256xf32, #tpu.memory_space<hbm>>
        tpu.wait_dma2 semaphore(%run_scoped3A : memref<!tpu.dma_semaphore, #tpu.memory_space<semaphore_mem>>) src(%arg6 : memref<128x256xf32, #tpu.memory_space<vmem>>) dst(%dma_wait3A_100 : memref<128x256xf32, #tpu.memory_space<hbm>>)
        tpu.yield
      }) : () -> ()
      %add3A_75 = arith.constant 2 : i32
      %add3A_76 = arith.addi %mul3A_58, %add3A_75 : i32
      %mul3A_77 = arith.constant 128 : i32
      %mul3A_78 = arith.muli %add3A_76, %mul3A_77 : i32
      %dma_start3A_79 = tpu.memref_slice %arg5[%mul3A_78] : memref<6528xi32, #tpu.memory_space<vmem>> -> memref<128xi32, #tpu.memory_space<vmem>>
      %dma_start3A_80 = arith.constant 0 : i32
      %dma_start3A_81 = arith.constant 0 : i32
      %dma_start3A_82 = tpu.memref_slice %arg3[%dma_start3A_80, %dma_start3A_81] : memref<100001x256xf32, #tpu.memory_space<hbm>> -> memref<100001x256xf32, #tpu.memory_space<hbm>>
      tpu.enqueue_indirect_dma source(%dma_start3A_82 : memref<100001x256xf32, #tpu.memory_space<hbm>>) target(%arg6 : memref<128x256xf32, #tpu.memory_space<vmem>>) offsets(%dma_start3A_79 : memref<128xi32, #tpu.memory_space<vmem>>) semaphore(%arg8 : memref<!tpu.dma_semaphore, #tpu.memory_space<semaphore_mem>>)
      %dma_wait3A_83 = arith.constant 0 : i32
      %dma_wait3A_84 = tpu.memref_slice %arg5[%dma_wait3A_83] : memref<6528xi32, #tpu.memory_space<vmem>> -> memref<128xi32, #tpu.memory_space<vmem>>
      %dma_wait3A_85 = arith.constant 0 : i32
      %dma_wait3A_86 = arith.constant 0 : i32
      %dma_wait3A_87 = tpu.memref_slice %arg3[%dma_wait3A_85, %dma_wait3A_86] : memref<100001x256xf32, #tpu.memory_space<hbm>> -> memref<100001x256xf32, #tpu.memory_space<hbm>>
      tpu.wait_indirect_dma semaphore(%arg9 : memref<!tpu.dma_semaphore, #tpu.memory_space<semaphore_mem>>) src(%dma_wait3A_87 : memref<100001x256xf32, #tpu.memory_space<hbm>>) dst(%arg7 : memref<128x256xf32, #tpu.memory_space<vmem>>)
      %add3A_88 = arith.constant 1 : i32
      %add3A_89 = arith.addi %mul3A_58, %add3A_88 : i32
      %mul3A_90 = arith.constant 128 : i32
      %mul3A_91 = arith.muli %add3A_89, %mul3A_90 : i32
      %add3A_92 = arith.addi %mul3A_2, %mul3A_91 : i32
      "tpu.region"() ({
        %run_scoped3A = tpu.sem_alloc : memref<!tpu.dma_semaphore, #tpu.memory_space<semaphore_mem>>
        %dma_start3A_93 = arith.constant 0 : i32
        %dma_start3A_94 = tpu.memref_slice %arg4[%add3A_92, %dma_start3A_93] : memref<204800x256xf32, #tpu.memory_space<hbm>> -> memref<128x256xf32, #tpu.memory_space<hbm>>
        %dma_start3A_95 = arith.constant 0 : i32
        %dma_start3A_96 = tpu.memref_slice %arg4[%add3A_92, %dma_start3A_95] : memref<204800x256xf32, #tpu.memory_space<hbm>> -> memref<128x256xf32, #tpu.memory_space<hbm>>
        tpu.enqueue_dma source(%arg7 : memref<128x256xf32, #tpu.memory_space<vmem>>) target(%dma_start3A_96 : memref<128x256xf32, #tpu.memory_space<hbm>>) target_semaphore(%run_scoped3A : memref<!tpu.dma_semaphore, #tpu.memory_space<semaphore_mem>>)
        %dma_wait3A_97 = arith.constant 0 : i32
        %dma_wait3A_98 = tpu.memref_slice %arg4[%add3A_92, %dma_wait3A_97] : memref<204800x256xf32, #tpu.memory_space<hbm>> -> memref<128x256xf32, #tpu.memory_space<hbm>>
        %dma_wait3A_99 = arith.constant 0 : i32
        %dma_wait3A_100 = tpu.memref_slice %arg4[%add3A_92, %dma_wait3A_99] : memref<204800x256xf32, #tpu.memory_space<hbm>> -> memref<128x256xf32, #tpu.memory_space<hbm>>
        tpu.wait_dma2 semaphore(%run_scoped3A : memref<!tpu.dma_semaphore, #tpu.memory_space<semaphore_mem>>) src(%arg7 : memref<128x256xf32, #tpu.memory_space<vmem>>) dst(%dma_wait3A_100 : memref<128x256xf32, #tpu.memory_space<hbm>>)
        tpu.yield
      }) : () -> ()
    }
    %scan3A_51 = arith.constant 25 : i32
    %dma_wait3A = arith.constant 0 : i32
    %dma_wait3A_52 = tpu.memref_slice %arg5[%dma_wait3A] : memref<6528xi32, #tpu.memory_space<vmem>> -> memref<128xi32, #tpu.memory_space<vmem>>
    %dma_wait3A_53 = arith.constant 0 : i32
    %dma_wait3A_54 = arith.constant 0 : i32
    %dma_wait3A_55 = tpu.memref_slice %arg3[%dma_wait3A_53, %dma_wait3A_54] : memref<100001x256xf32, #tpu.memory_space<hbm>> -> memref<100001x256xf32, #tpu.memory_space<hbm>>
    tpu.wait_indirect_dma semaphore(%arg8 : memref<!tpu.dma_semaphore, #tpu.memory_space<semaphore_mem>>) src(%dma_wait3A_55 : memref<100001x256xf32, #tpu.memory_space<hbm>>) dst(%arg6 : memref<128x256xf32, #tpu.memory_space<vmem>>)
    return
  }
}

</mosaic_0001>

<sc_bundles>
// kernel: _run.3.cloned.1.call-start
scs
__scs_entry_jumppad:
0x0: {  	(pc) =	sbr.rel $0x88, $3  }
0x1: {  	(tag) =	ssettag $0x0;
	lr =	simm.s32 $0x1  }
0x2: {  	[smem:$0x3F9F] =	sst lr;
	_ =	strace $0xD0000000  }
0x3: {  	_ = 	snop  }
0x4: {  	_ = 	snop  }
0x5: {  	_ = 	snop  }
0x6: {  	_ = 	snop  }
0x7: {  	_ = 	snop  }
__scs_overlays_trampoline_lowered:
0x8: {  	[smem:$0x3FAE] =	sst s0  }
0x9: {  	[smem:$0x3FAF] =	sst s1  }
0xa: {  	[smem:$0x3FB0] =	sst s2  }
0xb: {  	[smem:$0x3FB1] =	sst s3  }
0xc: {  	[smem:$0x3FB2] =	sst s4  }
0xd: {  	[smem:$0x3FB3] =	sst s5  }
0xe: {  	[smem:$0x3FB4] =	sst s6  }
0xf: {  	[smem:$0x3FB5] =	sst s7  }
0x10: {  	[smem:$0x3FB6] =	sst s8  }
0x11: {  	[smem:$0x3FB7] =	sst s9;
	s0 =	simm.s32 @!p0 $0x0  }
0x12: {  	s1 =	sld [smem:$0x3F9D];
	s0 =	simm.s32 @p0 $0x1  }
0x13: {  	[smem:$0x3FB8] =	sst s0;
	s0 =	simm.s32 @!p1 $0x0  }
0x14: {  	s2 =	sld [smem:$0x3F9C];
	s0 =	simm.s32 @p1 $0x1  }
0x15: {  	[smem:$0x3FB9] =	sst s0;
	s0 =	simm.s32 @!p2 $0x0  }
0x16: {  	s3 =	sld [smem:$0x3FDB];
	s0 =	simm.s32 @p2 $0x1  }
0x17: {  	s4 =	simm.s32 $0x1BF5;
	[smem:$0x3FBB] =	sst s0  }
0x18: {  	s0 =	sld [smem:$0x3F9E];
	_ =	swait.ge [sflag:s4], $0x0  }
0x19: {  	s7 =	sld [smem:$0x3F9F]  }
0x1a: {  	s8 =	sadd.s32 $0xFFFFE003, lr  }
0x1b: {  	s9 =	sadd.s32 $0xFFFFFEF7, lr;
	s5 =	simm.s32 $0xFFFFFFFF;
	p2 =	slt.u32 s8, $0xFFFFF086  }
0x1c: {  	p1 =	slt.u32 s9, $0xF7A;
	s5 =	simm.s32 @!p2 $0x0  }
0x1d: {  	s5 =	simm.s32 @p1 $0x1;
	p0 =	seq.s32 s7, s2  }
0x1e: {  	s7 =	smul.u32 @!p0 $0xF7A, s2;
	p2 =	seq.s32 @!p0 s5, $0x0  }
0x1f: {  	s9 =	smul.u32 $0xF7A, s1;
	s8 =	simm.s32 @!p0 $0x1BF5;
	p2 =	por !p2, p0  }
0x20: {  	[sflag:s8] =	ssyncset.s32 @!p0 $0xFFFFF086;
	s6 =	sadd.s32 @!p0 s3, s7;
	s7 =	simm.s32 @!p0 $0x108  }
0x21: {  	s3 =	sadd.s32 s3, s9;
	s6 =	sadd.s32 @!p0 $0x88, s6;
	s7 =	simm.s32 @p2 $0x1082  }
0x22: {  	[simem:s7], [sflag:s8] =	dma.local @!p0 [hbm:s6], $0xF7A  }
0x23: {  	s9 =	sor.u32 $0xD0000000, s2;
	s6 =	simm.s32 $0x108;
	_ =	swait.ge @!p0 [sflag:s8], $0x0  }
0x24: {  	s3 =	sadd.s32 $0x88, s3;
	s6 =	simm.s32 @!p1 $0x1082;
	[sflag:s4] =	ssyncset.s32 $0xFFFFF086  }
0x25: {  	[simem:s6], [sflag:s4] =	dma.local [hbm:s3], $0xF7A  }
0x26: {  	[smem:$0x3F9F] =	sst s1;
	(tag) =	ssettag s2;
	_ =	strace s9  }
0x27: {  	s1 =	sld [smem:$0x3FAF]  }
0x28: {  	s2 =	sld [smem:$0x3FB0]  }
0x29: {  	s4 =	sld [smem:$0x3FB2]  }
0x2a: {  	p0 =	seq.s32 s5, $0x0;
	s5 =	sld [smem:$0x3FB3]  }
0x2b: {  	s6 =	sld [smem:$0x3FB4]  }
0x2c: {  	s7 =	sld [smem:$0x3FB5]  }
0x2d: {  	s3 =	simm.s32 $0x108;
	s8 =	sld [smem:$0x3FB6]  }
0x2e: {  	s3 =	simm.s32 @!p0 $0x1082;
	s9 =	sld [smem:$0x3FB7]  }
0x2f: {  	lr =	sadd.s32 s0, s3;
	s0 =	sld [smem:$0x3FAE]  }
0x30: {  	s3 =	sld [smem:$0x3FB1]  }
0x31: {  	[smem:$0x3FBA] =	sst s10  }
0x32: {  	s10 =	sld [smem:$0x3FB8];
	_ =	sdelay $0x3  }
0x33: {  	p0 =	seq.s32 s10, $0x1;
	s10 =	sld [smem:$0x3FBA];
	_ =	sdelay $0x3  }
0x34: {  	[smem:$0x3FBA] =	sst s10  }
0x35: {  	s10 =	sld [smem:$0x3FB9];
	_ =	sdelay $0x3  }
0x36: {  	p1 =	seq.s32 s10, $0x1;
	s10 =	sld [smem:$0x3FBA];
	_ =	sdelay $0x3  }
0x37: {  	[smem:$0x3FBA] =	sst s10  }
0x38: {  	s10 =	sld [smem:$0x3FBB]  }
0x39: {  	_ = 	snop;
	(pc) =	sbr.ind lr, $3  }
0x3a: {  	_ = 	snop  }
0x3b: {  	_ = 	snop  }
0x3c: {  	p2 =	seq.s32 s10, $0x1;
	s10 =	sld [smem:$0x3FBA]  }
0x3d: {  	_ =	shalt  }
0x3e: {  	_ =	shalt  }
0x3f: {  	_ =	shalt  }
0x40: {  	_ =	shalt  }
0x41: {  	_ =	shalt  }
0x42: {  	_ =	shalt  }
0x43: {  	_ =	shalt  }
0x44: {  	_ =	shalt  }
0x45: {  	_ =	shalt  }
0x46: {  	_ =	shalt  }
0x47: {  	_ =	shalt  }
0x48: {  	_ =	shalt  }
0x49: {  	_ =	shalt  }
0x4a: {  	_ =	shalt  }
0x4b: {  	_ =	shalt  }
0x4c: {  	_ =	shalt  }
0x4d: {  	_ =	shalt  }
0x4e: {  	_ =	shalt  }
0x4f: {  	_ =	shalt  }
0x50: {  	_ =	shalt  }
0x51: {  	_ =	shalt  }
0x52: {  	_ =	shalt  }
0x53: {  	_ =	shalt  }
0x54: {  	_ =	shalt  }
0x55: {  	_ =	shalt  }
0x56: {  	_ =	shalt  }
0x57: {  	_ =	shalt  }
0x58: {  	_ =	shalt  }
0x59: {  	_ =	shalt  }
0x5a: {  	_ =	shalt  }
0x5b: {  	_ =	shalt  }
0x5c: {  	_ =	shalt  }
0x5d: {  	_ =	shalt  }
0x5e: {  	_ =	shalt  }
0x5f: {  	_ =	shalt  }
0x60: {  	_ =	shalt  }
0x61: {  	_ =	shalt  }
0x62: {  	_ =	shalt  }
0x63: {  	_ =	shalt  }
0x64: {  	_ =	shalt  }
0x65: {  	_ =	shalt  }
0x66: {  	_ =	shalt  }
0x67: {  	_ =	shalt  }
0x68: {  	_ =	shalt  }
0x69: {  	_ =	shalt  }
0x6a: {  	_ =	shalt  }
0x6b: {  	_ =	shalt  }
0x6c: {  	_ =	shalt  }
0x6d: {  	_ =	shalt  }
0x6e: {  	_ =	shalt  }
0x6f: {  	_ =	shalt  }
0x70: {  	_ =	shalt  }
0x71: {  	_ =	shalt  }
0x72: {  	_ =	shalt  }
0x73: {  	_ =	shalt  }
0x74: {  	_ =	shalt  }
0x75: {  	_ =	shalt  }
0x76: {  	_ =	shalt  }
0x77: {  	_ =	shalt  }
0x78: {  	_ =	shalt  }
0x79: {  	_ =	shalt  }
0x7a: {  	_ =	shalt  }
0x7b: {  	_ =	shalt  }
0x7c: {  	_ =	shalt  }
0x7d: {  	_ =	shalt  }
0x7e: {  	_ =	shalt  }
0x7f: {  	_ =	shalt  }
0x80: {  	_ =	shalt  }
0x81: {  	_ =	shalt  }
0x82: {  	_ =	shalt  }
0x83: {  	_ =	shalt  }
0x84: {  	_ =	shalt  }
0x85: {  	_ =	shalt  }
0x86: {  	_ =	shalt  }
0x87: {  	_ =	shalt  }
.Lfunc_end0:
.L_simem_size_0:
called_computation_lowered:
.L_overlay_start_0:
0x88: {  	s2 =	sld [smem:$0x3FD9]  }
0x89: {  	s3 =	sld [smem:$0x3FFE];
	_ =	sdelay $0x1  }
0x8a: {  	s1 =	srdreg.scid  }
0x8b: {  	s0 =	sand.u32 $0x1, s1  }
0x8c: {  	s18 =	sshll.u32 s0, $0xA;
	s2 =	sadd.s32 s3, s2  }
0x8d: {  	s2 =	sadd.s32 s2, s18  }
0x8e: {  	[smem:$0x3FC6] =	sst s2  }
0x8f: {  	_ = 	snop  }
0x90: {  	s2 =	sld [smem:$0x3FC9]  }
0x91: {  	s19 =	sld [smem:$0x3FC8]  }
0x92: {  	s4 =	sld [smem:$0x3FD0];
	(tm) =	ssettm $0x1  }
0x93: {  	s5 =	sld [smem:$0x3FFB];
	_ =	sdelay $0x3  }
0x94: {  	_ =	strace s5  }
0x95: {  	s5 =	sld [smem:$0x3FFC];
	_ =	sdelay $0x3  }
0x96: {  	_ =	strace s5  }
0x97: {  	s5 =	sld [smem:$0x3FFD];
	_ =	sdelay $0x3  }
0x98: {  	_ =	strace s5  }
0x99: {  	_ =	strace $0x8FFFFFFF  }
0x9a: {  	s20 =	sld [smem:$0x3FDB];
	_ =	sdelay $0x1  }
0x9b: {  	s6 =	simm.s32 $_scs_section_size  }
0x9c: {  	s7 =	simm.s32 $_size__tile_overlayer_lowered;
	s8 =	simm.s32 $_tile_overlayer_lowered  }
0x9d: {  	s23 =	simm.s32 $0x1BFF;
	s22 =	sshll.u32 s8, $0x1;
	s5 =	sadd.s32 s6, s20  }
0x9e: {  	s9 =	simm.s32 $0x0;
	s21 =	sshll.u32 s7, $0x1;
	s7 =	sadd.s32 s22, s5  }
0x9f: {  	[timem:s9], [sflag:s23] =	dma.local [hbm:s7], s21  }
0xa0: {  	_ =	swait.ge [sflag:s23], s21  }
0xa1: {  	s6 =	ssub.s32 $0x0, s21;
	[sflag:s23] =	ssyncset.done $0x0  }
0xa2: {  	[sflag:s23] =	ssyncadd.s32 s6;
	_ =	sdelay $0x1  }
0xa3: {  	s24 =	simm.s32 $0x1B8B  }
0xa4: {  	_ =	swait.ge [sflag:s24], $0x1  }
0xa5: {  	[sflag:s24] =	ssyncset.done $0x0  }
0xa6: {  	s25 =	simm.s32 $0x1B8E;
	[sflag:s24] =	ssyncadd.s32 $0xFFFFFFFF  }
0xa7: {  	s26 =	simm.s32 $execute0_lowered;
	[smem:$0x3FD2] =	sst s25  }
0xa8: {  	s6 =	sshll.u32 s26, $0x1;
	_ =	strace $0x80000046;
	[dreg:$0x1] =	wrdreg $0xFFFFFFFF  }
0xa9: {  	s28 =	simm.s32 $_size_execute0_lowered;
	s5 =	sadd.s32 s5, s6;
	[dreg:$0x0] =	wrdreg $0x0  }
0xaa: {  	s6 =	sshll.u32 s28, $0x1;
	[dreg:$0x2] =	wrdreg s5  }
0xab: {  	[dreg:$0x3] =	wrdreg s6  }
0xac: {  	[dreg:$0x4] =	wrdreg $0xC0  }
0xad: {  	_ =	task [dreg:s9], $0x5FFFF  }
0xae: {  	[dreg:$0x1] =	wrdreg $0xFFFFFFFF  }
0xaf: {  	[dreg:$0x0] =	wrdreg $0x60  }
0xb0: {  	[dreg:$0x2] =	wrdreg s2  }
0xb1: {  	[dreg:$0x3] =	wrdreg s19  }
0xb2: {  	[dreg:$0x4] =	wrdreg s4  }
0xb3: {  	[dreg:$0x5] =	wrdreg $0x9  }
0xb4: {  	_ =	task.clear_ibuf [dreg:s9], $0x6FFFF;
	_ =	strace $0x90000046  }
0xb5: {  	s29 =	simm.s32 $0x9;
	_ =	strace $0x80000048  }
0xb6: {  	_ =	swait.ge [sflag:s29], $0x1  }
0xb7: {  	[sflag:s29] =	ssyncadd.s32 $0xFFFFFFFF  }
0xb8: {  	_ =	strace $0x90000048  }
0xb9: {  	_ =	sfence  }
0xba: {  	s30 =	sld [smem:$0x0];
	_ =	sdelay $0x2  }
0xbb: {  	s31 =	sshll.u32 s1, $0xD;
	s1 =	sshrl.u32 s1, $0x2  }
0xbc: {  	s3 =	sand.u32 $0x4000, s31;
	s1 =	sadd.s32 s1, s30  }
0xbd: {  	s0 =	sor.u32 s3, s0;
	s1 =	sshll.u32 s1, $0x11  }
0xbe: {  	s0 =	sor.u32 s1, s0  }
0xbf: {  	s0 =	sadd.s32 $0x8F2B, s0  }
0xc0: {  	[sflag:s0] =	ssyncadd.remote.s32 $0x1  }
0xc1: {  	_ =	sfence.sel $0xFFFF  }
0xc2: {  	[dreg:$0x0] =	wrdreg $0xFFFFFFFF;
	(pc) =	sbr.abs _section_cstart, $3  }
0xc3: {  	[dreg:$0x1] =	wrdreg $0xFFFFFFFF  }
0xc4: {  	_ =	task.clear_ibuf [dreg:s9], $0x2FFFF;
	_ =	strace $0x9FFFFFFF  }
0xc5: {  	(tm) =	ssettm $0x7FFFFFFF  }
tec
execute0_lowered:
.L_overlay_start_1:
0x0: {  	(tag) =	ssettag $0x1  }
0x1: {  	s0 =	rddreg [dreg:$0x0]  }
0x2: {  	s1 =	rddreg [dreg:$0x1]  }
0x3: {  	s4 =	rddreg [dreg:$0x2];
	s3 =	simm.s32 $0x0  }
0x4: {  	s5 =	srdreg.scid;
	s2 =	stileid.u32;
	s16 =	simm.s32 $0xA180  }
0x5: {  	s17 =	simm.s32 $0xA980;
	s18 =	simm.s32 $0xB180;
	s19 =	simm.s32 $0xB980  }
0x6: {  	s20 =	simm.s32 $0xC180;
	s21 =	simm.s32 $0xC980;
	s22 =	simm.s32 $0xD180  }
0x7: {  	s23 =	simm.s32 $0xD980;
	s24 =	simm.s32 $0xE180;
	[smem:$0x7FF] =	sst s3  }
0x8: {  	s25 =	simm.s32 $0xE980;
	_ =	strace $0x80000047;
	[dreg:$0x6] =	wrdreg s16  }
0x9: {  	s26 =	simm.s32 $0xF180;
	s31 =	simm.s32 $0xF980;
	[dreg:$0x7] =	wrdreg s17  }
0xa: {  	s28 =	simm.s32 $0x1;
	s29 =	simm.s32 $0x2;
	[dreg:$0x8] =	wrdreg s18  }
0xb: {  	s30 =	simm.s32 $0x0;
	s5 =	sand.u32 $0x1, s5;
	[dreg:$0x9] =	wrdreg s19  }
0xc: {  	s6 =	smul.u32 $0x320000, s2;
	s10 =	sshll.u32 s2, $0x1;
	[dreg:$0xa] =	wrdreg s20  }
0xd: {  	s11 =	smul.u32 $0x64000, s2;
	s7 =	ssub.s32 $0x2, s5;
	[dreg:$0xb] =	wrdreg s21  }
0xe: {  	s8 =	smul.u32 $0x190000, s5;
	s10 =	sor.u32 s5, s10;
	[dreg:$0xc] =	wrdreg s22  }
0xf: {  	s5 =	smul.u32 $0x32000, s5;
	s16 =	simm.s32 $0x6180;
	[dreg:$0xd] =	wrdreg s23  }
0x10: {  	s17 =	simm.s32 $0x6980;
	s18 =	simm.s32 $0x7180;
	[dreg:$0xe] =	wrdreg s24  }
0x11: {  	s19 =	simm.s32 $0x7980;
	s20 =	simm.s32 $0x8180;
	[dreg:$0xf] =	wrdreg s25  }
0x12: {  	s21 =	simm.s32 $0x8980;
	[dreg:$0x10] =	wrdreg s26;
	s22 =	simm.s32 $0x9180  }
0x13: {  	s23 =	simm.s32 $0x9980;
	[dreg:$0x11] =	wrdreg s31;
	s24 =	simm.s32 $0x10180  }
0x14: {  	s25 =	simm.s32 $0x10980;
	s26 =	simm.s32 $0x11180;
	s9 =	sshrl.u32 s7, $0x1  }
0x15: {  	s12 =	smul.u32 $0x1900, s10;
	s13 =	sadd.s32 s11, s4;
	s10 =	simm.s32 $0x3180  }
0x16: {  	s11 =	simm.s32 $0x3980;
	s6 =	sadd.s32 s8, s6;
	s7 =	ssub.s32 s7, s9  }
0x17: {  	s5 =	sadd.s32 s5, s13;
	s8 =	simm.s32 $0x2180;
	s9 =	simm.s32 $0x2980  }
0x18: {  	s13 =	simm.s32 $0x4980;
	s6 =	sshrl.u32 s6, $0x3;
	s14 =	sshrl.u32 s12, $0x3  }
0x19: {  	s15 =	sadd.s32 $0x1000, s5;
	s5 =	smax.u32 s7, $0x1;
	s7 =	simm.s32 $0x1980  }
0x1a: {  	v3 =	vlaneseq.u32;
	s12 =	simm.s32 $0x4180;
	s4 =	sadd.s32 s6, s4;
	[dreg:$0x5] =	wrdreg s15  }
0x1b: {  	v0 =	vimm.s32 $0x0;
	vm0 =	vmmov $0xffff;
	v2 =	vshrl.u32 v3, $0x3;
	s0 =	sadd.s32 s0, s14;
	s6 =	simm.s32 $0x3;
	[dreg:$0x4] =	wrdreg s4  }
0x1c: {  	v1 =	vand.u32 $0x7, v3;
	v3 =	vor.u32 $0x8, v3;
	v2 =	vmul.u32 $0x8, v2;
	s14 =	simm.s32 $0x5180;
	s15 =	simm.s32 $0x5980;
	[dreg:$0x12] =	wrdreg s0  }
.LBB2_1:
0x1d: {  	s0 =	rddreg [dreg:$0x12]  }
0x1e: {  	[tilespmem:s3], [sflag:$0x3] =	stream.linear.gather [hbm4b:s0+s3], $0x1900, $0x38;
	[tilespmem:$0x11980] =	vst v63  }
0x1f: {  	_ =	swait.ge [sflag:s6], $0x1900  }
0x20: {  	[sflag:s6] =	ssyncset.done $0x0  }
0x21: {  	[sflag:s6] =	ssyncadd.s32 $0xFFFFE700  }
0x22: {  	[tilespmem:$0x1900] =	vst v0  }
0x23: {  	[tilespmem:$0x1910] =	vst v0  }
0x24: {  	[tilespmem:$0x1920] =	vst v0  }
0x25: {  	[tilespmem:$0x1930] =	vst v0  }
0x26: {  	[tilespmem:$0x1940] =	vst v0  }
0x27: {  	[tilespmem:$0x1950] =	vst v0  }
0x28: {  	[tilespmem:$0x1960] =	vst v0  }
0x29: {  	s31 =	simm.s32 $0x40;
	s0 =	simm.s32 $0x0;
	[tilespmem:$0x1970] =	vst v0  }
.LBB2_2:
0x2a: {  	p0 =	sne.s32 s31, $0x63C0;
	v4 =	vld [tilespmem:s0+$0x0];
	_ =	sdelay $0x2  }
.Ltmp0:
0x2b: {  	(pc) =	sbr.rel @p0 .LBB2_2-.Ltmp0, $4  }
0x2c: {  	_ = 	snop  }
0x2d: {  	vm1 =	vlt.s32 v4, $0x186A0  }
0x2e: {  	v4 =	vnsel vm1, $0x186A0, v4  }
0x2f: {  	[tilespmem:s0+$0x0] =	vst v4;
	s0 =	sshra.s32 s31, $0x2;
	s31 =	sadd.s32 $0x40, s31  }
0x30: {  	v4 =	vld [tilespmem:s0+$0x0];
	_ =	sdelay $0x4  }
0x31: {  	vm1 =	vlt.s32 v4, $0x186A0  }
0x32: {  	v4 =	vnsel vm1, $0x186A0, v4  }
0x33: {  	[tilespmem:s0+$0x0] =	vst v4  }
0x34: {  	v4 =	vld [tilespmem:$0x0];
	_ =	sdelay $0x4  }
0x35: {  	v5 =	vshll.u32 v4, $0x1  }
0x36: {  	v4 =	vand.u32 $0x7, v4;
	v5 =	vand.u32 $0xFFFFFFF0, v5  }
0x37: {  	v4 =	vor.u32 v4, v5  }
0x38: {  	v5 =	vperm.xlane v4, v1;
	_ =	sdelay $0x1  }
0x39: {  	v4 =	vperm.xlane v4, v3;
	v5 =	vadd.s32 v2, v5;
	_ =	sdelay $0x1  }
0x3a: {  	v4 =	vadd.s32 v2, v4;
	_ =	sdelay $0x1  }
0x3b: {  	s31 =	simm.s32 $0x0  }
0x3c: {  	[tilespmem:s7], [sflag:$0x1] =	stream.indirect_vreg.gather [hbm4b:s1+s31], $0x80, v5, vm0, $0xb8;
	[tilespmem:$0x11980] =	vst v63  }
0x3d: {  	_ = 	snop  }
0x3e: {  	[tilespmem:s8], [sflag:$0x1] =	stream.indirect_vreg.gather [hbm4b:s1+s31], $0x80, v4, vm0, $0xb8;
	[tilespmem:$0x11980] =	vst v63  }
0x3f: {  	v4 =	vld [tilespmem:$0x10];
	_ =	sdelay $0x4  }
0x40: {  	v5 =	vshll.u32 v4, $0x1  }
0x41: {  	v4 =	vand.u32 $0x7, v4;
	v5 =	vand.u32 $0xFFFFFFF0, v5  }
0x42: {  	v4 =	vor.u32 v4, v5  }
0x43: {  	v5 =	vperm.xlane v4, v1;
	_ =	sdelay $0x1  }
0x44: {  	v4 =	vperm.xlane v4, v3;
	v5 =	vadd.s32 v2, v5;
	_ =	sdelay $0x1  }
0x45: {  	v4 =	vadd.s32 v2, v4;
	_ =	sdelay $0x2  }
0x46: {  	[tilespmem:s9], [sflag:$0x1] =	stream.indirect_vreg.gather [hbm4b:s1+s31], $0x80, v5, vm0, $0xb8;
	[tilespmem:$0x11980] =	vst v63  }
0x47: {  	_ = 	snop  }
0x48: {  	[tilespmem:s10], [sflag:$0x1] =	stream.indirect_vreg.gather [hbm4b:s1+s31], $0x80, v4, vm0, $0xb8;
	[tilespmem:$0x11980] =	vst v63  }
0x49: {  	v4 =	vld [tilespmem:$0x20];
	_ =	sdelay $0x4  }
0x4a: {  	v5 =	vshll.u32 v4, $0x1  }
0x4b: {  	v4 =	vand.u32 $0x7, v4;
	v5 =	vand.u32 $0xFFFFFFF0, v5  }
0x4c: {  	v4 =	vor.u32 v4, v5  }
0x4d: {  	v5 =	vperm.xlane v4, v1;
	_ =	sdelay $0x1  }
0x4e: {  	v4 =	vperm.xlane v4, v3;
	v5 =	vadd.s32 v2, v5;
	_ =	sdelay $0x1  }
0x4f: {  	v4 =	vadd.s32 v2, v4;
	_ =	sdelay $0x2  }
0x50: {  	[tilespmem:s11], [sflag:$0x1] =	stream.indirect_vreg.gather [hbm4b:s1+s31], $0x80, v5, vm0, $0xb8;
	[tilespmem:$0x11980] =	vst v63  }
0x51: {  	_ = 	snop  }
0x52: {  	[tilespmem:s12], [sflag:$0x1] =	stream.indirect_vreg.gather [hbm4b:s1+s31], $0x80, v4, vm0, $0xb8;
	[tilespmem:$0x11980] =	vst v63  }
0x53: {  	v4 =	vld [tilespmem:$0x30];
	_ =	sdelay $0x4  }
0x54: {  	v5 =	vshll.u32 v4, $0x1  }
0x55: {  	v4 =	vand.u32 $0x7, v4;
	v5 =	vand.u32 $0xFFFFFFF0, v5  }
0x56: {  	v4 =	vor.u32 v4, v5  }
0x57: {  	v5 =	vperm.xlane v4, v1;
	_ =	sdelay $0x1  }
0x58: {  	v4 =	vperm.xlane v4, v3;
	v5 =	vadd.s32 v2, v5;
	_ =	sdelay $0x1  }
0x59: {  	v4 =	vadd.s32 v2, v4;
	_ =	sdelay $0x2  }
0x5a: {  	[tilespmem:s13], [sflag:$0x1] =	stream.indirect_vreg.gather [hbm4b:s1+s31], $0x80, v5, vm0, $0xb8;
	[tilespmem:$0x11980] =	vst v63  }
0x5b: {  	_ = 	snop  }
0x5c: {  	[tilespmem:s14], [sflag:$0x1] =	stream.indirect_vreg.gather [hbm4b:s1+s31], $0x80, v4, vm0, $0xb8;
	[tilespmem:$0x11980] =	vst v63  }
0x5d: {  	v4 =	vld [tilespmem:$0x40];
	_ =	sdelay $0x4  }
0x5e: {  	v5 =	vshll.u32 v4, $0x1  }
0x5f: {  	v4 =	vand.u32 $0x7, v4;
	v5 =	vand.u32 $0xFFFFFFF0, v5  }
0x60: {  	v4 =	vor.u32 v4, v5  }
0x61: {  	v5 =	vperm.xlane v4, v1;
	_ =	sdelay $0x1  }
0x62: {  	v4 =	vperm.xlane v4, v3;
	v5 =	vadd.s32 v2, v5;
	_ =	sdelay $0x1  }
0x63: {  	v4 =	vadd.s32 v2, v4;
	_ =	sdelay $0x2  }
0x64: {  	[tilespmem:s15], [sflag:$0x1] =	stream.indirect_vreg.gather [hbm4b:s1+s31], $0x80, v5, vm0, $0xb8;
	[tilespmem:$0x11980] =	vst v63  }
0x65: {  	_ = 	snop  }
0x66: {  	[tilespmem:s16], [sflag:$0x1] =	stream.indirect_vreg.gather [hbm4b:s1+s31], $0x80, v4, vm0, $0xb8;
	[tilespmem:$0x11980] =	vst v63  }
0x67: {  	v4 =	vld [tilespmem:$0x50];
	_ =	sdelay $0x4  }
0x68: {  	v5 =	vshll.u32 v4, $0x1  }
0x69: {  	v4 =	vand.u32 $0x7, v4;
	v5 =	vand.u32 $0xFFFFFFF0, v5  }
0x6a: {  	v4 =	vor.u32 v4, v5  }
0x6b: {  	v5 =	vperm.xlane v4, v1;
	_ =	sdelay $0x1  }
0x6c: {  	v4 =	vperm.xlane v4, v3;
	v5 =	vadd.s32 v2, v5;
	_ =	sdelay $0x1  }
0x6d: {  	v4 =	vadd.s32 v2, v4;
	_ =	sdelay $0x2  }
0x6e: {  	[tilespmem:s17], [sflag:$0x1] =	stream.indirect_vreg.gather [hbm4b:s1+s31], $0x80, v5, vm0, $0xb8;
	[tilespmem:$0x11980] =	vst v63  }
0x6f: {  	_ = 	snop  }
0x70: {  	[tilespmem:s18], [sflag:$0x1] =	stream.indirect_vreg.gather [hbm4b:s1+s31], $0x80, v4, vm0, $0xb8;
	[tilespmem:$0x11980] =	vst v63  }
0x71: {  	v4 =	vld [tilespmem:$0x60];
	_ =	sdelay $0x4  }
0x72: {  	v5 =	vshll.u32 v4, $0x1  }
0x73: {  	v4 =	vand.u32 $0x7, v4;
	v5 =	vand.u32 $0xFFFFFFF0, v5  }
0x74: {  	v4 =	vor.u32 v4, v5  }
0x75: {  	v5 =	vperm.xlane v4, v1;
	_ =	sdelay $0x1  }
0x76: {  	v4 =	vperm.xlane v4, v3;
	v5 =	vadd.s32 v2, v5;
	_ =	sdelay $0x1  }
0x77: {  	v4 =	vadd.s32 v2, v4;
	_ =	sdelay $0x2  }
0x78: {  	[tilespmem:s19], [sflag:$0x1] =	stream.indirect_vreg.gather [hbm4b:s1+s31], $0x80, v5, vm0, $0xb8;
	[tilespmem:$0x11980] =	vst v63  }
0x79: {  	_ = 	snop  }
0x7a: {  	[tilespmem:s20], [sflag:$0x1] =	stream.indirect_vreg.gather [hbm4b:s1+s31], $0x80, v4, vm0, $0xb8;
	[tilespmem:$0x11980] =	vst v63  }
0x7b: {  	v4 =	vld [tilespmem:$0x70];
	_ =	sdelay $0x4  }
0x7c: {  	v5 =	vshll.u32 v4, $0x1  }
0x7d: {  	v4 =	vand.u32 $0x7, v4;
	v5 =	vand.u32 $0xFFFFFFF0, v5  }
0x7e: {  	v4 =	vor.u32 v4, v5  }
0x7f: {  	v5 =	vperm.xlane v4, v1;
	_ =	sdelay $0x1  }
0x80: {  	v4 =	vperm.xlane v4, v3;
	v5 =	vadd.s32 v2, v5;
	_ =	sdelay $0x1  }
0x81: {  	v4 =	vadd.s32 v2, v4;
	_ =	sdelay $0x2  }
0x82: {  	[tilespmem:s21], [sflag:$0x1] =	stream.indirect_vreg.gather [hbm4b:s1+s31], $0x80, v5, vm0, $0xb8;
	[tilespmem:$0x11980] =	vst v63  }
0x83: {  	s0 =	simm.s32 $0xC0  }
0x84: {  	[tilespmem:s22], [sflag:$0x1] =	stream.indirect_vreg.gather [hbm4b:s1+s31], $0x80, v4, vm0, $0xb8;
	[tilespmem:$0x11980] =	vst v63  }
.LBB2_4:
0x85: {  	v4 =	vld [tilespmem:s0+$0xFFFFFFC0];
	_ =	sdelay $0x4  }
0x86: {  	v5 =	vshll.u32 v4, $0x1  }
0x87: {  	v4 =	vand.u32 $0x7, v4;
	v5 =	vand.u32 $0xFFFFFFF0, v5  }
0x88: {  	v4 =	vor.u32 v4, v5  }
0x89: {  	v5 =	vperm.xlane v4, v1;
	_ =	sdelay $0x1  }
0x8a: {  	v4 =	vperm.xlane v4, v3;
	v5 =	vadd.s32 v2, v5;
	_ =	sdelay $0x1  }
0x8b: {  	v4 =	vadd.s32 v2, v4;
	_ =	sdelay $0x2  }
0x8c: {  	[tilespmem:s23], [sflag:$0x2] =	stream.indirect_vreg.gather [hbm4b:s1+s3], $0x80, v5, vm0, $0xb8;
	[tilespmem:$0x11980] =	vst v63  }
0x8d: {  	s2 =	rddreg [dreg:$0x6]  }
0x8e: {  	[tilespmem:s2], [sflag:$0x2] =	stream.indirect_vreg.gather [hbm4b:s1+s3], $0x80, v4, vm0, $0xb8;
	[tilespmem:$0x11980] =	vst v63  }
0x8f: {  	v4 =	vld [tilespmem:s0+$0xFFFFFFD0];
	_ =	sdelay $0x4  }
0x90: {  	v5 =	vshll.u32 v4, $0x1  }
0x91: {  	v4 =	vand.u32 $0x7, v4;
	v5 =	vand.u32 $0xFFFFFFF0, v5  }
0x92: {  	v4 =	vor.u32 v4, v5  }
0x93: {  	v5 =	vperm.xlane v4, v1;
	_ =	sdelay $0x1  }
0x94: {  	v4 =	vperm.xlane v4, v3;
	v5 =	vadd.s32 v2, v5;
	_ =	sdelay $0x1  }
0x95: {  	v4 =	vadd.s32 v2, v4;
	_ =	sdelay $0x1  }
0x96: {  	s2 =	rddreg [dreg:$0x7]  }
0x97: {  	[tilespmem:s2], [sflag:$0x2] =	stream.indirect_vreg.gather [hbm4b:s1+s3], $0x80, v5, vm0, $0xb8;
	[tilespmem:$0x11980] =	vst v63  }
0x98: {  	s4 =	rddreg [dreg:$0x8]  }
0x99: {  	[tilespmem:s4], [sflag:$0x2] =	stream.indirect_vreg.gather [hbm4b:s1+s3], $0x80, v4, vm0, $0xb8;
	[tilespmem:$0x11980] =	vst v63  }
0x9a: {  	v4 =	vld [tilespmem:s0+$0xFFFFFFE0];
	_ =	sdelay $0x4  }
0x9b: {  	v5 =	vshll.u32 v4, $0x1  }
0x9c: {  	v4 =	vand.u32 $0x7, v4;
	v5 =	vand.u32 $0xFFFFFFF0, v5  }
0x9d: {  	v4 =	vor.u32 v4, v5  }
0x9e: {  	v5 =	vperm.xlane v4, v1;
	_ =	sdelay $0x1  }
0x9f: {  	v4 =	vperm.xlane v4, v3;
	v5 =	vadd.s32 v2, v5;
	_ =	sdelay $0x1  }
0xa0: {  	v4 =	vadd.s32 v2, v4;
	_ =	sdelay $0x1  }
0xa1: {  	s2 =	rddreg [dreg:$0x9]  }
0xa2: {  	[tilespmem:s2], [sflag:$0x2] =	stream.indirect_vreg.gather [hbm4b:s1+s3], $0x80, v5, vm0, $0xb8;
	[tilespmem:$0x11980] =	vst v63  }
0xa3: {  	s4 =	rddreg [dreg:$0xa]  }
0xa4: {  	[tilespmem:s4], [sflag:$0x2] =	stream.indirect_vreg.gather [hbm4b:s1+s3], $0x80, v4, vm0, $0xb8;
	[tilespmem:$0x11980] =	vst v63  }
0xa5: {  	v4 =	vld [tilespmem:s0+$0xFFFFFFF0];
	_ =	sdelay $0x4  }
0xa6: {  	v5 =	vshll.u32 v4, $0x1  }
0xa7: {  	v4 =	vand.u32 $0x7, v4;
	v5 =	vand.u32 $0xFFFFFFF0, v5  }
0xa8: {  	v4 =	vor.u32 v4, v5  }
0xa9: {  	v5 =	vperm.xlane v4, v1;
	_ =	sdelay $0x1  }
0xaa: {  	v4 =	vperm.xlane v4, v3;
	v5 =	vadd.s32 v2, v5;
	_ =	sdelay $0x1  }
0xab: {  	v4 =	vadd.s32 v2, v4;
	_ =	sdelay $0x1  }
0xac: {  	s2 =	rddreg [dreg:$0xb]  }
0xad: {  	[tilespmem:s2], [sflag:$0x2] =	stream.indirect_vreg.gather [hbm4b:s1+s3], $0x80, v5, vm0, $0xb8;
	[tilespmem:$0x11980] =	vst v63  }
0xae: {  	s4 =	rddreg [dreg:$0xc]  }
0xaf: {  	[tilespmem:s4], [sflag:$0x2] =	stream.indirect_vreg.gather [hbm4b:s1+s3], $0x80, v4, vm0, $0xb8;
	[tilespmem:$0x11980] =	vst v63  }
0xb0: {  	v4 =	vld [tilespmem:s0+$0x0];
	_ =	sdelay $0x4  }
0xb1: {  	v5 =	vshll.u32 v4, $0x1  }
0xb2: {  	v4 =	vand.u32 $0x7, v4;
	v5 =	vand.u32 $0xFFFFFFF0, v5  }
0xb3: {  	v4 =	vor.u32 v4, v5  }
0xb4: {  	v5 =	vperm.xlane v4, v1;
	_ =	sdelay $0x1  }
0xb5: {  	v4 =	vperm.xlane v4, v3;
	v5 =	vadd.s32 v2, v5;
	_ =	sdelay $0x1  }
0xb6: {  	v4 =	vadd.s32 v2, v4;
	_ =	sdelay $0x1  }
0xb7: {  	s2 =	rddreg [dreg:$0xd]  }
0xb8: {  	[tilespmem:s2], [sflag:$0x2] =	stream.indirect_vreg.gather [hbm4b:s1+s3], $0x80, v5, vm0, $0xb8;
	[tilespmem:$0x11980] =	vst v63  }
0xb9: {  	s4 =	rddreg [dreg:$0xe]  }
0xba: {  	[tilespmem:s4], [sflag:$0x2] =	stream.indirect_vreg.gather [hbm4b:s1+s3], $0x80, v4, vm0, $0xb8;
	[tilespmem:$0x11980] =	vst v63  }
0xbb: {  	v4 =	vld [tilespmem:s0+$0x10];
	_ =	sdelay $0x4  }
0xbc: {  	v5 =	vshll.u32 v4, $0x1  }
0xbd: {  	v4 =	vand.u32 $0x7, v4;
	v5 =	vand.u32 $0xFFFFFFF0, v5  }
0xbe: {  	v4 =	vor.u32 v4, v5  }
0xbf: {  	v5 =	vperm.xlane v4, v1;
	_ =	sdelay $0x1  }
0xc0: {  	v4 =	vperm.xlane v4, v3;
	v5 =	vadd.s32 v2, v5;
	_ =	sdelay $0x1  }
0xc1: {  	v4 =	vadd.s32 v2, v4;
	_ =	sdelay $0x1  }
0xc2: {  	s2 =	rddreg [dreg:$0xf]  }
0xc3: {  	[tilespmem:s2], [sflag:$0x2] =	stream.indirect_vreg.gather [hbm4b:s1+s3], $0x80, v5, vm0, $0xb8;
	[tilespmem:$0x11980] =	vst v63  }
0xc4: {  	s4 =	rddreg [dreg:$0x10]  }
0xc5: {  	[tilespmem:s4], [sflag:$0x2] =	stream.indirect_vreg.gather [hbm4b:s1+s3], $0x80, v4, vm0, $0xb8;
	[tilespmem:$0x11980] =	vst v63  }
0xc6: {  	v4 =	vld [tilespmem:s0+$0x20];
	_ =	sdelay $0x4  }
0xc7: {  	v5 =	vshll.u32 v4, $0x1  }
0xc8: {  	v4 =	vand.u32 $0x7, v4;
	v5 =	vand.u32 $0xFFFFFFF0, v5  }
0xc9: {  	v4 =	vor.u32 v4, v5  }
0xca: {  	v5 =	vperm.xlane v4, v1;
	_ =	sdelay $0x1  }
0xcb: {  	v4 =	vperm.xlane v4, v3;
	v5 =	vadd.s32 v2, v5;
	_ =	sdelay $0x1  }
0xcc: {  	v4 =	vadd.s32 v2, v4;
	_ =	sdelay $0x1  }
0xcd: {  	s4 =	rddreg [dreg:$0x11]  }
0xce: {  	[tilespmem:s4], [sflag:$0x2] =	stream.indirect_vreg.gather [hbm4b:s1+s3], $0x80, v5, vm0, $0xb8;
	[tilespmem:$0x11980] =	vst v63  }
0xcf: {  	_ = 	snop  }
0xd0: {  	[tilespmem:s24], [sflag:$0x2] =	stream.indirect_vreg.gather [hbm4b:s1+s3], $0x80, v4, vm0, $0xb8;
	[tilespmem:$0x11980] =	vst v63  }
0xd1: {  	v4 =	vld [tilespmem:s0+$0x30];
	_ =	sdelay $0x4  }
0xd2: {  	v5 =	vshll.u32 v4, $0x1  }
0xd3: {  	v4 =	vand.u32 $0x7, v4;
	v5 =	vand.u32 $0xFFFFFFF0, v5  }
0xd4: {  	v4 =	vor.u32 v4, v5  }
0xd5: {  	v5 =	vperm.xlane v4, v1;
	_ =	sdelay $0x1  }
0xd6: {  	v4 =	vperm.xlane v4, v3;
	v5 =	vadd.s32 v2, v5;
	_ =	sdelay $0x1  }
0xd7: {  	v4 =	vadd.s32 v2, v4;
	_ =	sdelay $0x2  }
0xd8: {  	[tilespmem:s25], [sflag:$0x2] =	stream.indirect_vreg.gather [hbm4b:s1+s3], $0x80, v5, vm0, $0xb8;
	[tilespmem:$0x11980] =	vst v63  }
0xd9: {  	_ = 	snop  }
0xda: {  	[tilespmem:s26], [sflag:$0x2] =	stream.indirect_vreg.gather [hbm4b:s1+s3], $0x80, v4, vm0, $0xb8;
	[tilespmem:$0x11980] =	vst v63  }
0xdb: {  	_ =	swait.ge [sflag:s28], $0x8000  }
0xdc: {  	s4 =	rddreg [dreg:$0x4];
	[sflag:s28] =	ssyncset.done $0x0  }
0xdd: {  	[sflag:s28] =	ssyncadd.s32 $0xFFFF8000;
	s2 =	sadd.s32 s31, s4  }
0xde: {  	[hbm4b:s2+s3] =	stream.linear.scatter [tilespmem:s7], [sflag:$0x3], $0x8000, $0x38;
	[tilespmem:$0x11980] =	vst v63  }
0xdf: {  	_ =	swait.ge [sflag:s6], $0x8000  }
0xe0: {  	[sflag:s6] =	ssyncset.done $0x0  }
0xe1: {  	[sflag:s6] =	ssyncadd.s32 $0xFFFF8000  }
0xe2: {  	v4 =	vld [tilespmem:s0+$0x40];
	_ =	sdelay $0x4  }
0xe3: {  	v5 =	vshll.u32 v4, $0x1  }
0xe4: {  	v4 =	vand.u32 $0x7, v4;
	v5 =	vand.u32 $0xFFFFFFF0, v5  }
0xe5: {  	v4 =	vor.u32 v4, v5  }
0xe6: {  	v5 =	vperm.xlane v4, v1;
	_ =	sdelay $0x1  }
0xe7: {  	v4 =	vperm.xlane v4, v3;
	v5 =	vadd.s32 v2, v5;
	_ =	sdelay $0x1  }
0xe8: {  	v4 =	vadd.s32 v2, v4;
	_ =	sdelay $0x2  }
0xe9: {  	[tilespmem:s7], [sflag:$0x1] =	stream.indirect_vreg.gather [hbm4b:s1+s3], $0x80, v5, vm0, $0xb8;
	[tilespmem:$0x11980] =	vst v63  }
0xea: {  	_ = 	snop  }
0xeb: {  	[tilespmem:s8], [sflag:$0x1] =	stream.indirect_vreg.gather [hbm4b:s1+s3], $0x80, v4, vm0, $0xb8;
	[tilespmem:$0x11980] =	vst v63  }
0xec: {  	v4 =	vld [tilespmem:s0+$0x50];
	_ =	sdelay $0x4  }
0xed: {  	v5 =	vshll.u32 v4, $0x1  }
0xee: {  	v4 =	vand.u32 $0x7, v4;
	v5 =	vand.u32 $0xFFFFFFF0, v5  }
0xef: {  	v4 =	vor.u32 v4, v5  }
0xf0: {  	v5 =	vperm.xlane v4, v1;
	_ =	sdelay $0x1  }
0xf1: {  	v4 =	vperm.xlane v4, v3;
	v5 =	vadd.s32 v2, v5;
	_ =	sdelay $0x1  }
0xf2: {  	v4 =	vadd.s32 v2, v4;
	_ =	sdelay $0x2  }
0xf3: {  	[tilespmem:s9], [sflag:$0x1] =	stream.indirect_vreg.gather [hbm4b:s1+s3], $0x80, v5, vm0, $0xb8;
	[tilespmem:$0x11980] =	vst v63  }
0xf4: {  	_ = 	snop  }
0xf5: {  	[tilespmem:s10], [sflag:$0x1] =	stream.indirect_vreg.gather [hbm4b:s1+s3], $0x80, v4, vm0, $0xb8;
	[tilespmem:$0x11980] =	vst v63  }
0xf6: {  	v4 =	vld [tilespmem:s0+$0x60];
	_ =	sdelay $0x4  }
0xf7: {  	v5 =	vshll.u32 v4, $0x1  }
0xf8: {  	v4 =	vand.u32 $0x7, v4;
	v5 =	vand.u32 $0xFFFFFFF0, v5  }
0xf9: {  	v4 =	vor.u32 v4, v5  }
0xfa: {  	v5 =	vperm.xlane v4, v1;
	_ =	sdelay $0x1  }
0xfb: {  	v4 =	vperm.xlane v4, v3;
	v5 =	vadd.s32 v2, v5;
	_ =	sdelay $0x1  }
0xfc: {  	v4 =	vadd.s32 v2, v4;
	_ =	sdelay $0x2  }
0xfd: {  	[tilespmem:s11], [sflag:$0x1] =	stream.indirect_vreg.gather [hbm4b:s1+s3], $0x80, v5, vm0, $0xb8;
	[tilespmem:$0x11980] =	vst v63  }
0xfe: {  	_ = 	snop  }
0xff: {  	[tilespmem:s12], [sflag:$0x1] =	stream.indirect_vreg.gather [hbm4b:s1+s3], $0x80, v4, vm0, $0xb8;
	[tilespmem:$0x11980] =	vst v63  }
0x100: {  	v4 =	vld [tilespmem:s0+$0x70];
	_ =	sdelay $0x4  }
0x101: {  	v5 =	vshll.u32 v4, $0x1  }
0x102: {  	v4 =	vand.u32 $0x7, v4;
	v5 =	vand.u32 $0xFFFFFFF0, v5  }
0x103: {  	v4 =	vor.u32 v4, v5  }
0x104: {  	v5 =	vperm.xlane v4, v1;
	_ =	sdelay $0x1  }
0x105: {  	v4 =	vperm.xlane v4, v3;
	v5 =	vadd.s32 v2, v5;
	_ =	sdelay $0x1  }
0x106: {  	v4 =	vadd.s32 v2, v4;
	_ =	sdelay $0x2  }
0x107: {  	[tilespmem:s13], [sflag:$0x1] =	stream.indirect_vreg.gather [hbm4b:s1+s3], $0x80, v5, vm0, $0xb8;
	[tilespmem:$0x11980] =	vst v63  }
0x108: {  	_ = 	snop  }
0x109: {  	[tilespmem:s14], [sflag:$0x1] =	stream.indirect_vreg.gather [hbm4b:s1+s3], $0x80, v4, vm0, $0xb8;
	[tilespmem:$0x11980] =	vst v63  }
0x10a: {  	v4 =	vld [tilespmem:s0+$0x80];
	_ =	sdelay $0x4  }
0x10b: {  	v5 =	vshll.u32 v4, $0x1  }
0x10c: {  	v4 =	vand.u32 $0x7, v4;
	v5 =	vand.u32 $0xFFFFFFF0, v5  }
0x10d: {  	v4 =	vor.u32 v4, v5  }
0x10e: {  	v5 =	vperm.xlane v4, v1;
	_ =	sdelay $0x1  }
0x10f: {  	v4 =	vperm.xlane v4, v3;
	v5 =	vadd.s32 v2, v5;
	_ =	sdelay $0x1  }
0x110: {  	v4 =	vadd.s32 v2, v4;
	_ =	sdelay $0x2  }
0x111: {  	[tilespmem:s15], [sflag:$0x1] =	stream.indirect_vreg.gather [hbm4b:s1+s3], $0x80, v5, vm0, $0xb8;
	[tilespmem:$0x11980] =	vst v63  }
0x112: {  	_ = 	snop  }
0x113: {  	[tilespmem:s16], [sflag:$0x1] =	stream.indirect_vreg.gather [hbm4b:s1+s3], $0x80, v4, vm0, $0xb8;
	[tilespmem:$0x11980] =	vst v63  }
0x114: {  	v4 =	vld [tilespmem:s0+$0x90];
	_ =	sdelay $0x4  }
0x115: {  	v5 =	vshll.u32 v4, $0x1  }
0x116: {  	v4 =	vand.u32 $0x7, v4;
	v5 =	vand.u32 $0xFFFFFFF0, v5  }
0x117: {  	v4 =	vor.u32 v4, v5  }
0x118: {  	v5 =	vperm.xlane v4, v1;
	_ =	sdelay $0x1  }
0x119: {  	v4 =	vperm.xlane v4, v3;
	v5 =	vadd.s32 v2, v5;
	_ =	sdelay $0x1  }
0x11a: {  	v4 =	vadd.s32 v2, v4;
	_ =	sdelay $0x2  }
0x11b: {  	[tilespmem:s17], [sflag:$0x1] =	stream.indirect_vreg.gather [hbm4b:s1+s3], $0x80, v5, vm0, $0xb8;
	[tilespmem:$0x11980] =	vst v63  }
0x11c: {  	_ = 	snop  }
0x11d: {  	[tilespmem:s18], [sflag:$0x1] =	stream.indirect_vreg.gather [hbm4b:s1+s3], $0x80, v4, vm0, $0xb8;
	[tilespmem:$0x11980] =	vst v63  }
0x11e: {  	v4 =	vld [tilespmem:s0+$0xA0];
	_ =	sdelay $0x4  }
0x11f: {  	v5 =	vshll.u32 v4, $0x1  }
0x120: {  	v4 =	vand.u32 $0x7, v4;
	v5 =	vand.u32 $0xFFFFFFF0, v5  }
0x121: {  	v4 =	vor.u32 v4, v5  }
0x122: {  	v5 =	vperm.xlane v4, v1;
	_ =	sdelay $0x1  }
0x123: {  	v4 =	vperm.xlane v4, v3;
	v5 =	vadd.s32 v2, v5;
	_ =	sdelay $0x1  }
0x124: {  	v4 =	vadd.s32 v2, v4;
	_ =	sdelay $0x2  }
0x125: {  	[tilespmem:s19], [sflag:$0x1] =	stream.indirect_vreg.gather [hbm4b:s1+s3], $0x80, v5, vm0, $0xb8;
	[tilespmem:$0x11980] =	vst v63  }
0x126: {  	_ = 	snop  }
0x127: {  	[tilespmem:s20], [sflag:$0x1] =	stream.indirect_vreg.gather [hbm4b:s1+s3], $0x80, v4, vm0, $0xb8;
	[tilespmem:$0x11980] =	vst v63  }
0x128: {  	v4 =	vld [tilespmem:s0+$0xB0];
	_ =	sdelay $0x4  }
0x129: {  	v5 =	vshll.u32 v4, $0x1  }
0x12a: {  	v4 =	vand.u32 $0x7, v4;
	v5 =	vand.u32 $0xFFFFFFF0, v5  }
0x12b: {  	v4 =	vor.u32 v4, v5  }
0x12c: {  	v5 =	vperm.xlane v4, v1;
	_ =	sdelay $0x1  }
0x12d: {  	v4 =	vperm.xlane v4, v3;
	v5 =	vadd.s32 v2, v5;
	_ =	sdelay $0x1  }
0x12e: {  	v4 =	vadd.s32 v2, v4;
	_ =	sdelay $0x2  }
0x12f: {  	[tilespmem:s21], [sflag:$0x1] =	stream.indirect_vreg.gather [hbm4b:s1+s3], $0x80, v5, vm0, $0xb8;
	[tilespmem:$0x11980] =	vst v63  }
0x130: {  	_ = 	snop  }
0x131: {  	[tilespmem:s22], [sflag:$0x1] =	stream.indirect_vreg.gather [hbm4b:s1+s3], $0x80, v4, vm0, $0xb8;
	[tilespmem:$0x11980] =	vst v63  }
0x132: {  	_ =	swait.ge [sflag:s29], $0x8000  }
0x133: {  	p0 =	sne.s32 s31, $0x30000;
	s4 =	rddreg [dreg:$0x5];
	[sflag:s29] =	ssyncset.done $0x0  }
.Ltmp1:
0x134: {  	[sflag:s29] =	ssyncadd.s32 $0xFFFF8000;
	s2 =	sadd.s32 s31, s4;
	(pc) =	sbr.rel @p0 .LBB2_4-.Ltmp1, $4  }
0x135: {  	[hbm4b:s2+s3] =	stream.linear.scatter [tilespmem:s23], [sflag:$0x3], $0x8000, $0x38;
	[tilespmem:$0x11980] =	vst v63  }
0x136: {  	_ =	swait.ge [sflag:s6], $0x8000  }
0x137: {  	[sflag:s6] =	ssyncset.done $0x0  }
0x138: {  	s0 =	sadd.s32 $0x100, s0;
	s31 =	sadd.s32 $0x2000, s31;
	[sflag:s6] =	ssyncadd.s32 $0xFFFF8000  }
0x139: {  	s30 =	sadd.s32 $0x1, s30  }
0x13a: {  	p0 =	sne.s32 s30, s5  }
.Ltmp2:
0x13b: {  	_ = 	snop;
	(pc) =	sbr.rel @p0 .LBB2_1-.Ltmp2, $4  }
0x13c: {  	_ = 	snop  }
0x13d: {  	_ =	swait.ge [sflag:s28], $0x8000  }
0x13e: {  	[sflag:s28] =	ssyncset.done $0x0  }
0x13f: {  	[sflag:s28] =	ssyncadd.s32 $0xFFFF8000  }
0x140: {  	_ =	sfence.sel $0x180000  }
0x141: {  	[bflag:$0x0] =	sbarrier.arrive $0xFFFF  }
0x142: {  	_ =	strace $0x90000047  }
0x143: {  	s0 =	stileid.u32;
	[bflag:$0x2] =	sbarrier.arrive $0xFFFF  }
0x144: {  	p0 =	sne.s32 s0, $0x0;
	s0 =	rddreg [dreg:$0x3]  }
0x145: {  	s0 =	sadd.s32 @!p0 $0x100000, s0  }
0x146: {  	[sflag:s0] =	ssyncadd.tile.s32 @!p0 $0x1;
	_ =	shalt  }
.Lfunc_end2:
_tile_overlayer_lowered:
.L_overlay_start_2:
0x147: {  	(tag) =	ssettag $0x2  }
0x148: {  	s0 =	rddreg [dreg:$0x0];
	s2 =	stileid.u32  }
0x149: {  	s1 =	rddreg [dreg:$0x1];
	p0 =	sne.s32 s2, $0x0  }
0x14a: {  	s3 =	rddreg [dreg:$0x2];
	[bflag:$0x3] =	sbarrier.arrive $0xFFFF;
	s2 =	simm.s32 @!p0 $0x1C03  }
0x14b: {  	[timem:s3], [sflag:s2] =	dma.local @!p0 [hbm:s0], s1  }
0x14c: {  	s0 =	simm.s32 @!p0 $0x3  }
0x14d: {  	_ =	swait.ge @!p0 [sflag:s0], s1  }
0x14e: {  	s1 =	ssub.s32 @!p0 $0x0, s1;
	[sflag:s0] =	ssyncset.done @!p0 $0x0  }
0x14f: {  	[sflag:s0] =	ssyncadd.s32 @!p0 s1  }
0x150: {  	[bflag:$0x3] =	sbarrier.arrive $0xFFFF  }
0x151: {  	_ =	shalt  }

</sc_bundles>
